<compile_context>
chip_gen: v7x
topology: tpu7x:2x2x1
jax: 0.10.2.dev20260603
libtpu: 0.0.44.dev20260713+nightly
codegen_flags: <defaults>
</compile_context>

<pallas_src>
import functools

import jax
import jax.numpy as jnp
from jax import lax
from jax.experimental import pallas as pl
from jax.experimental.pallas import tpu as pltpu
from jax.experimental.pallas import tpu_sc as plsc

_N = 5000
_C = 20
_NP = 5120
_NEG = -3.0e38


def _sc_argmax(stp_hbm, tops_hbm, col_vmem, idx_vmem):
    cid = lax.axis_index("c")
    sid = lax.axis_index("s")
    wid = sid * 2 + cid

    @pl.when(wid < _C)
    def _():
        pltpu.sync_copy(stp_hbm.at[wid], col_vmem)
        lanes = lax.broadcasted_iota(jnp.int32, (16,), 0)

        def step(off, v, carry):
            m, best = carry
            upd = v > m
            return jnp.where(upd, v, m), jnp.where(upd, off + lanes, best)

        def body(j, carry):
            for k in range(8):
                off = j * 128 + k * 16
                carry = step(off, col_vmem[pl.ds(off, 16)], carry)
            return carry

        m0 = jnp.full((16,), _NEG, dtype=jnp.float32)
        b0 = jnp.zeros((16,), dtype=jnp.int32)
        m, best = lax.fori_loop(0, _NP // 128, body, (m0, b0))

        gmax = jnp.max(m)
        cand = jnp.where(m == gmax, best, _N)
        idx = jnp.min(cand)
        idx_vmem[...] = jnp.full((16,), idx, dtype=jnp.int32)
        pltpu.sync_copy(idx_vmem, tops_hbm.at[wid])


_sc_call = functools.partial(
    pl.kernel,
    mesh=plsc.VectorSubcoreMesh(core_axis_name="c", subcore_axis_name="s"),
    out_type=jax.ShapeDtypeStruct((_C, 16), jnp.int32),
    scratch_types=[
        pltpu.VMEM((_NP,), jnp.float32),
        pltpu.VMEM((16,), jnp.int32),
    ],
    compiler_params=pltpu.CompilerParams(needs_layout_passes=False),
)(_sc_argmax)


def _tc_body(stp_ref, bt_ref, il_ref, tops_ref, out_ref):
    st = stp_ref[...][:, :_N]
    bt = bt_ref[...]
    idx = tops_ref[:, 0:1]

    col = lax.broadcasted_iota(jnp.int32, st.shape, 1)
    onehot = (col == idx).astype(jnp.float32)
    x1 = bt[0:1, :]
    y1 = bt[1:2, :]
    x2 = bt[2:3, :]
    y2 = bt[3:4, :]
    tx1 = jnp.sum(onehot * x1, axis=1, keepdims=True)
    ty1 = jnp.sum(onehot * y1, axis=1, keepdims=True)
    tx2 = jnp.sum(onehot * x2, axis=1, keepdims=True)
    ty2 = jnp.sum(onehot * y2, axis=1, keepdims=True)

    xx1 = jnp.maximum(x1, tx1)
    yy1 = jnp.maximum(y1, ty1)
    xx2 = jnp.minimum(x2, tx2)
    yy2 = jnp.minimum(y2, ty2)
    iw = xx2 - xx1 + 1.0
    ih = yy2 - yy1 + 1.0
    valid = ((iw > 0) & (ih > 0)).astype(jnp.float32)
    inter = iw * ih * valid
    area_n = (x2 - x1 + 1.0) * (y2 - y1 + 1.0)
    area_t = (tx2 - tx1 + 1.0) * (ty2 - ty1 + 1.0)
    iou = inter / (area_n + area_t - inter)

    cmask = (iou > 0.7).astype(jnp.float32)
    neglog = -jnp.log(jnp.clip(st, 1e-6, 1.0 - 1e-6))
    num = jnp.sum(neglog * cmask, axis=1, keepdims=True)
    den = jnp.maximum(jnp.sum(cmask, axis=1, keepdims=True), 1.0)
    per_class = num / den

    il = il_ref[...]
    loss = jnp.sum(per_class * il) / jnp.sum(il)
    out_ref[...] = jnp.broadcast_to(loss, (1, 1))


@jax.jit
def kernel(boxes, scores, im_labels):
    stp = jnp.pad(scores.T, ((0, 0), (0, _NP - _N)), constant_values=_NEG)
    tops = _sc_call(stp)
    out = pl.pallas_call(
        _tc_body,
        out_shape=jax.ShapeDtypeStruct((1, 1), jnp.float32),
    )(stp, boxes.T, im_labels.T, tops)
    return out[0, 0]

# --- scband reference (transcript-rebuilt; emitter-appended) ---
"""Pipeline reference for scband-dmil-76725295775835 (READ-ONLY COPY).

The authoritative reference and input builder live on the scoring server;
editing this copy changes nothing except your own understanding.
"""

import jax, jax.numpy as jnp
import numpy as np

N = 5000
C = 20

def setup_inputs(seed: int = 0) -> dict:
    key = jax.random.key(seed)
    k1, k2, k3 = jax.random.split(key, 3)
    xy = jax.random.uniform(k1, (N, 2), dtype=jnp.float32) * 800.0
    wh = jax.random.uniform(k2, (N, 2), dtype=jnp.float32) * 200.0 + 1.0
    boxes = jnp.concatenate([xy, xy + wh], axis=1)
    scores = jax.random.uniform(k3, (N, C), dtype=jnp.float32)
    im_labels = jnp.ones((1, C), dtype=jnp.float32)
    return {"boxes": boxes, "scores": scores, "im_labels": im_labels}

def pairwise_mutual_iou(bb, gt):
    # faithful to iou_other_self_mutual: +1 pixel convention, mutual IoU
    x1 = jnp.maximum(bb[:, None, 0], gt[None, :, 0])
    y1 = jnp.maximum(bb[:, None, 1], gt[None, :, 1])
    x2 = jnp.minimum(bb[:, None, 2], gt[None, :, 2])
    y2 = jnp.minimum(bb[:, None, 3], gt[None, :, 3])
    iw = x2 - x1 + 1.0
    ih = y2 - y1 + 1.0
    mask = (iw > 0) & (ih > 0)
    cross = iw * ih * mask.astype(bb.dtype)
    area_a = (bb[:, 2] - bb[:, 0] + 1.0) * (bb[:, 3] - bb[:, 1] + 1.0)
    area_b = (gt[:, 2] - gt[:, 0] + 1.0) * (gt[:, 3] - gt[:, 1] + 1.0)
    return cross / (area_a[:, None] + area_b[None, :] - cross)

def reference(boxes, scores, im_labels):
    # learner_detector_collaboration-style loss: for each present class,
    # take the top-scoring box, cluster all boxes with IoU > 0.7 to it,
    # and penalize -log(score) over the cluster.
    iou = pairwise_mutual_iou(boxes, boxes)              # [N, N] compute-heavy
    tops = jnp.argmax(scores, axis=0)                    # [C]
    iou_cols = jnp.take(iou, tops, axis=1)               # [N, C]
    mask = (iou_cols > 0.7).astype(scores.dtype)         # [N, C]
    neglog = -jnp.log(jnp.clip(scores, 1e-6, 1.0 - 1e-6))
    per_class = jnp.sum(neglog * mask, axis=0) / jnp.maximum(jnp.sum(mask, axis=0), 1.0)
    loss = jnp.sum(per_class * im_labels[0]) / jnp.sum(im_labels)
    return loss

if __name__ == "__main__":
    import jax
    _d = setup_inputs()
    print(jax.jit(kernel)(*tuple(_d.values())))

</pallas_src>

<mosaic_0001>
#map = affine_map<(d0, d1) -> (0, 0)>
module attributes {stable_mosaic.version = 14 : i64} {
  func.func @_sc_argmax(%arg0: i32, %arg1: i32, %arg2: memref<20x5120xf32, #tpu.memory_space<hbm>>, %arg3: memref<20x16xi32, #tpu.memory_space<hbm>>, %arg4: memref<5120xf32, #tpu.memory_space<vmem>>, %arg5: memref<16xi32, #tpu.memory_space<vmem>>) attributes {dimension_semantics = [#tpu.dimension_semantics<core_parallel>, #tpu.dimension_semantics<subcore_parallel>], iteration_bounds = array<i64: 2, 16>, scalar_prefetch = 0 : i64, scratch_operands = 2 : i64, tpu.core_type = #tpu.core_type<sc_vector_subcore>, window_params = [{transform_indices = #map}, {transform_indices = #map}]} {
    %mul3A = arith.constant 2 : i32
    %mul3A_0 = arith.muli %arg1, %mul3A : i32
    %add3A = arith.addi %mul3A_0, %arg0 : i32
    %lt3A = arith.constant 20 : i32
    %lt3A_1 = arith.cmpi slt, %add3A, %lt3A : i32
    %convert_element_type3A = arith.extui %lt3A_1 : i1 to i32
    %cond3A = arith.constant 0 : i32
    %cond3A_2 = arith.cmpi ne, %convert_element_type3A, %cond3A : i32
    scf.if %cond3A_2 {
      "tpu.region"() ({
        %run_scoped3A = tpu.sem_alloc : memref<!tpu.dma_semaphore, #tpu.memory_space<semaphore_mem>>
        %dma_start3A = arith.constant 0 : i32
        %dma_start3A_25 = tpu.memref_slice %arg2[%add3A, %dma_start3A] : memref<20x5120xf32, #tpu.memory_space<hbm>> -> memref<1x5120xf32, #tpu.memory_space<hbm>>
        %dma_start3A_26 = tpu.memref_squeeze %dma_start3A_25 : memref<1x5120xf32, #tpu.memory_space<hbm>> -> memref<5120xf32, #tpu.memory_space<hbm>>
        %dma_start3A_27 = arith.constant 0 : i32
        %dma_start3A_28 = tpu.memref_slice %arg2[%add3A, %dma_start3A_27] : memref<20x5120xf32, #tpu.memory_space<hbm>> -> memref<1x5120xf32, #tpu.memory_space<hbm>>
        %dma_start3A_29 = tpu.memref_squeeze %dma_start3A_28 : memref<1x5120xf32, #tpu.memory_space<hbm>> -> memref<5120xf32, #tpu.memory_space<hbm>>
        tpu.enqueue_dma source(%dma_start3A_29 : memref<5120xf32, #tpu.memory_space<hbm>>) target(%arg4 : memref<5120xf32, #tpu.memory_space<vmem>>) target_semaphore(%run_scoped3A : memref<!tpu.dma_semaphore, #tpu.memory_space<semaphore_mem>>)
        %dma_wait3A = arith.constant 0 : i32
        %dma_wait3A_30 = tpu.memref_slice %arg2[%add3A, %dma_wait3A] : memref<20x5120xf32, #tpu.memory_space<hbm>> -> memref<1x5120xf32, #tpu.memory_space<hbm>>
        %dma_wait3A_31 = tpu.memref_squeeze %dma_wait3A_30 : memref<1x5120xf32, #tpu.memory_space<hbm>> -> memref<5120xf32, #tpu.memory_space<hbm>>
        %dma_wait3A_32 = arith.constant 0 : i32
        %dma_wait3A_33 = tpu.memref_slice %arg2[%add3A, %dma_wait3A_32] : memref<20x5120xf32, #tpu.memory_space<hbm>> -> memref<1x5120xf32, #tpu.memory_space<hbm>>
        %dma_wait3A_34 = tpu.memref_squeeze %dma_wait3A_33 : memref<1x5120xf32, #tpu.memory_space<hbm>> -> memref<5120xf32, #tpu.memory_space<hbm>>
        tpu.wait_dma2 semaphore(%run_scoped3A : memref<!tpu.dma_semaphore, #tpu.memory_space<semaphore_mem>>) src(%dma_wait3A_34 : memref<5120xf32, #tpu.memory_space<hbm>>) dst(%arg4 : memref<5120xf32, #tpu.memory_space<vmem>>)
        tpu.yield
      }) : () -> ()
      %iota3A = tpu.iota {dimensions = array<i32: 0>} : vector<16xi32>
      %broadcast_in_dim3A = arith.constant -3.000000e+38 : f32
      %broadcast_in_dim3A_3 = vector.broadcast %broadcast_in_dim3A : f32 to vector<16xf32>
      %broadcast_in_dim3A_4 = arith.constant 0 : i32
      %broadcast_in_dim3A_5 = vector.broadcast %broadcast_in_dim3A_4 : i32 to vector<16xi32>
      %scan3A = arith.constant 0 : i32
      %scan3A_6 = arith.constant 40 : i32
      %scan3A_7 = arith.addi %scan3A, %scan3A_6 : i32
      %scan3A_8 = arith.constant 1 : i32
      %scan3A_9:2 = scf.for %scan3A_25 = %scan3A to %scan3A_7 step %scan3A_8 iter_args(%scan3A_26 = %broadcast_in_dim3A_3, %scan3A_27 = %broadcast_in_dim3A_5) -> (vector<16xf32>, vector<16xi32>)  : i32 {
        %mul3A_28 = arith.constant 128 : i32
        %mul3A_29 = arith.muli %scan3A_25, %mul3A_28 : i32
        %add3A_30 = arith.constant 0 : i32
        %add3A_31 = arith.addi %mul3A_29, %add3A_30 : i32
        %get3A = arith.index_cast %add3A_31 : i32 to index
        %get3A_32 = tpu.vector_load %arg4[%get3A] {strides = array<i32>} : memref<5120xf32, #tpu.memory_space<vmem>>, vector<16xf32>,
        %gt3A = arith.cmpf ogt, %get3A_32, %scan3A_26 : vector<16xf32>
        %select_n3A_33 = arith.select %gt3A, %get3A_32, %scan3A_26 : vector<16xi1>, vector<16xf32>
        %add3A_34 = vector.broadcast %add3A_31 : i32 to vector<16xi32>
        %add3A_35 = arith.addi %add3A_34, %iota3A : vector<16xi32>
        %select_n3A_36 = arith.select %gt3A, %add3A_35, %scan3A_27 : vector<16xi1>, vector<16xi32>
        %mul3A_37 = arith.constant 128 : i32
        %mul3A_38 = arith.muli %scan3A_25, %mul3A_37 : i32
        %add3A_39 = arith.constant 16 : i32
        %add3A_40 = arith.addi %mul3A_38, %add3A_39 : i32
        %get3A_41 = arith.index_cast %add3A_40 : i32 to index
        %get3A_42 = tpu.vector_load %arg4[%get3A_41] {strides = array<i32>} : memref<5120xf32, #tpu.memory_space<vmem>>, vector<16xf32>,
        %gt3A_43 = arith.cmpf ogt, %get3A_42, %select_n3A_33 : vector<16xf32>
        %select_n3A_44 = arith.select %gt3A_43, %get3A_42, %select_n3A_33 : vector<16xi1>, vector<16xf32>
        %add3A_45 = vector.broadcast %add3A_40 : i32 to vector<16xi32>
        %add3A_46 = arith.addi %add3A_45, %iota3A : vector<16xi32>
        %select_n3A_47 = arith.select %gt3A_43, %add3A_46, %select_n3A_36 : vector<16xi1>, vector<16xi32>
        %mul3A_48 = arith.constant 128 : i32
        %mul3A_49 = arith.muli %scan3A_25, %mul3A_48 : i32
        %add3A_50 = arith.constant 32 : i32
        %add3A_51 = arith.addi %mul3A_49, %add3A_50 : i32
        %get3A_52 = arith.index_cast %add3A_51 : i32 to index
        %get3A_53 = tpu.vector_load %arg4[%get3A_52] {strides = array<i32>} : memref<5120xf32, #tpu.memory_space<vmem>>, vector<16xf32>,
        %gt3A_54 = arith.cmpf ogt, %get3A_53, %select_n3A_44 : vector<16xf32>
        %select_n3A_55 = arith.select %gt3A_54, %get3A_53, %select_n3A_44 : vector<16xi1>, vector<16xf32>
        %add3A_56 = vector.broadcast %add3A_51 : i32 to vector<16xi32>
        %add3A_57 = arith.addi %add3A_56, %iota3A : vector<16xi32>
        %select_n3A_58 = arith.select %gt3A_54, %add3A_57, %select_n3A_47 : vector<16xi1>, vector<16xi32>
        %mul3A_59 = arith.constant 128 : i32
        %mul3A_60 = arith.muli %scan3A_25, %mul3A_59 : i32
        %add3A_61 = arith.constant 48 : i32
        %add3A_62 = arith.addi %mul3A_60, %add3A_61 : i32
        %get3A_63 = arith.index_cast %add3A_62 : i32 to index
        %get3A_64 = tpu.vector_load %arg4[%get3A_63] {strides = array<i32>} : memref<5120xf32, #tpu.memory_space<vmem>>, vector<16xf32>,
        %gt3A_65 = arith.cmpf ogt, %get3A_64, %select_n3A_55 : vector<16xf32>
        %select_n3A_66 = arith.select %gt3A_65, %get3A_64, %select_n3A_55 : vector<16xi1>, vector<16xf32>
        %add3A_67 = vector.broadcast %add3A_62 : i32 to vector<16xi32>
        %add3A_68 = arith.addi %add3A_67, %iota3A : vector<16xi32>
        %select_n3A_69 = arith.select %gt3A_65, %add3A_68, %select_n3A_58 : vector<16xi1>, vector<16xi32>
        %mul3A_70 = arith.constant 128 : i32
        %mul3A_71 = arith.muli %scan3A_25, %mul3A_70 : i32
        %add3A_72 = arith.constant 64 : i32
        %add3A_73 = arith.addi %mul3A_71, %add3A_72 : i32
        %get3A_74 = arith.index_cast %add3A_73 : i32 to index
        %get3A_75 = tpu.vector_load %arg4[%get3A_74] {strides = array<i32>} : memref<5120xf32, #tpu.memory_space<vmem>>, vector<16xf32>,
        %gt3A_76 = arith.cmpf ogt, %get3A_75, %select_n3A_66 : vector<16xf32>
        %select_n3A_77 = arith.select %gt3A_76, %get3A_75, %select_n3A_66 : vector<16xi1>, vector<16xf32>
        %add3A_78 = vector.broadcast %add3A_73 : i32 to vector<16xi32>
        %add3A_79 = arith.addi %add3A_78, %iota3A : vector<16xi32>
        %select_n3A_80 = arith.select %gt3A_76, %add3A_79, %select_n3A_69 : vector<16xi1>, vector<16xi32>
        %mul3A_81 = arith.constant 128 : i32
        %mul3A_82 = arith.muli %scan3A_25, %mul3A_81 : i32
        %add3A_83 = arith.constant 80 : i32
        %add3A_84 = arith.addi %mul3A_82, %add3A_83 : i32
        %get3A_85 = arith.index_cast %add3A_84 : i32 to index
        %get3A_86 = tpu.vector_load %arg4[%get3A_85] {strides = array<i32>} : memref<5120xf32, #tpu.memory_space<vmem>>, vector<16xf32>,
        %gt3A_87 = arith.cmpf ogt, %get3A_86, %select_n3A_77 : vector<16xf32>
        %select_n3A_88 = arith.select %gt3A_87, %get3A_86, %select_n3A_77 : vector<16xi1>, vector<16xf32>
        %add3A_89 = vector.broadcast %add3A_84 : i32 to vector<16xi32>
        %add3A_90 = arith.addi %add3A_89, %iota3A : vector<16xi32>
        %select_n3A_91 = arith.select %gt3A_87, %add3A_90, %select_n3A_80 : vector<16xi1>, vector<16xi32>
        %mul3A_92 = arith.constant 128 : i32
        %mul3A_93 = arith.muli %scan3A_25, %mul3A_92 : i32
        %add3A_94 = arith.constant 96 : i32
        %add3A_95 = arith.addi %mul3A_93, %add3A_94 : i32
        %get3A_96 = arith.index_cast %add3A_95 : i32 to index
        %get3A_97 = tpu.vector_load %arg4[%get3A_96] {strides = array<i32>} : memref<5120xf32, #tpu.memory_space<vmem>>, vector<16xf32>,
        %gt3A_98 = arith.cmpf ogt, %get3A_97, %select_n3A_88 : vector<16xf32>
        %select_n3A_99 = arith.select %gt3A_98, %get3A_97, %select_n3A_88 : vector<16xi1>, vector<16xf32>
        %add3A_100 = vector.broadcast %add3A_95 : i32 to vector<16xi32>
        %add3A_101 = arith.addi %add3A_100, %iota3A : vector<16xi32>
        %select_n3A_102 = arith.select %gt3A_98, %add3A_101, %select_n3A_91 : vector<16xi1>, vector<16xi32>
        %mul3A_103 = arith.constant 128 : i32
        %mul3A_104 = arith.muli %scan3A_25, %mul3A_103 : i32
        %add3A_105 = arith.constant 112 : i32
        %add3A_106 = arith.addi %mul3A_104, %add3A_105 : i32
        %get3A_107 = arith.index_cast %add3A_106 : i32 to index
        %get3A_108 = tpu.vector_load %arg4[%get3A_107] {strides = array<i32>} : memref<5120xf32, #tpu.memory_space<vmem>>, vector<16xf32>,
        %gt3A_109 = arith.cmpf ogt, %get3A_108, %select_n3A_99 : vector<16xf32>
        %select_n3A_110 = arith.select %gt3A_109, %get3A_108, %select_n3A_99 : vector<16xi1>, vector<16xf32>
        %add3A_111 = vector.broadcast %add3A_106 : i32 to vector<16xi32>
        %add3A_112 = arith.addi %add3A_111, %iota3A : vector<16xi32>
        %select_n3A_113 = arith.select %gt3A_109, %add3A_112, %select_n3A_102 : vector<16xi1>, vector<16xi32>
        scf.yield %select_n3A_110, %select_n3A_113 : vector<16xf32>, vector<16xi32>
      }
      %scan3A_10 = arith.constant 40 : i32
      %reduce_max3A = arith.constant true
      %reduce_max3A_11 = vector.broadcast %reduce_max3A : i1 to vector<16xi1>
      %reduce_max3A_12 = tpu.scan <max>, %scan3A_9#0 masked %reduce_max3A_11 : vector<16xf32>, vector<16xi1> -> vector<16xf32>
      %reduce_max3A_13 = vector.extract %reduce_max3A_12[15] : f32 from vector<16xf32>
      %eq3A = vector.broadcast %reduce_max3A_13 : f32 to vector<16xf32>
      %eq3A_14 = arith.cmpf oeq, %scan3A_9#0, %eq3A : vector<16xf32>
      %jit3A = arith.constant 5000 : i32
      %broadcast_in_dim3A_15 = vector.broadcast %jit3A : i32 to vector<16xi32>
      %select_n3A = arith.select %eq3A_14, %scan3A_9#1, %broadcast_in_dim3A_15 : vector<16xi1>, vector<16xi32>
      %reduce_min3A = arith.constant true
      %reduce_min3A_16 = vector.broadcast %reduce_min3A : i1 to vector<16xi1>
      %reduce_min3A_17 = arith.constant -2147483648 : i32
      %reduce_min3A_18 = vector.broadcast %reduce_min3A_17 : i32 to vector<16xi32>
      %reduce_min3A_19 = arith.xori %select_n3A, %reduce_min3A_18 : vector<16xi32>
      %reduce_min3A_20 = tpu.scan <min>, %reduce_min3A_19 masked %reduce_min3A_16 : vector<16xi32>, vector<16xi1> -> vector<16xi32>
      %reduce_min3A_21 = arith.xori %reduce_min3A_20, %reduce_min3A_18 : vector<16xi32>
      %reduce_min3A_22 = vector.extract %reduce_min3A_21[15] : i32 from vector<16xi32>
      %broadcast_in_dim3A_23 = vector.broadcast %reduce_min3A_22 : i32 to vector<16xi32>
      %swap3A = arith.constant 0 : index
      %swap3A_24 = tpu.vector_load %arg5[%swap3A] {strides = array<i32>} : memref<16xi32, #tpu.memory_space<vmem>>, vector<16xi32>,
      tpu.vector_store %arg5[%swap3A], %broadcast_in_dim3A_23 {strides = array<i32>} : memref<16xi32, #tpu.memory_space<vmem>>, vector<16xi32>,
      "tpu.region"() ({
        %run_scoped3A = tpu.sem_alloc : memref<!tpu.dma_semaphore, #tpu.memory_space<semaphore_mem>>
        %dma_start3A = arith.constant 0 : i32
        %dma_start3A_25 = tpu.memref_slice %arg3[%add3A, %dma_start3A] : memref<20x16xi32, #tpu.memory_space<hbm>> -> memref<1x16xi32, #tpu.memory_space<hbm>>
        %dma_start3A_26 = tpu.memref_squeeze %dma_start3A_25 : memref<1x16xi32, #tpu.memory_space<hbm>> -> memref<16xi32, #tpu.memory_space<hbm>>
        %dma_start3A_27 = arith.constant 0 : i32
        %dma_start3A_28 = tpu.memref_slice %arg3[%add3A, %dma_start3A_27] : memref<20x16xi32, #tpu.memory_space<hbm>> -> memref<1x16xi32, #tpu.memory_space<hbm>>
        %dma_start3A_29 = tpu.memref_squeeze %dma_start3A_28 : memref<1x16xi32, #tpu.memory_space<hbm>> -> memref<16xi32, #tpu.memory_space<hbm>>
        tpu.enqueue_dma source(%arg5 : memref<16xi32, #tpu.memory_space<vmem>>) target(%dma_start3A_29 : memref<16xi32, #tpu.memory_space<hbm>>) target_semaphore(%run_scoped3A : memref<!tpu.dma_semaphore, #tpu.memory_space<semaphore_mem>>)
        %dma_wait3A = arith.constant 0 : i32
        %dma_wait3A_30 = tpu.memref_slice %arg3[%add3A, %dma_wait3A] : memref<20x16xi32, #tpu.memory_space<hbm>> -> memref<1x16xi32, #tpu.memory_space<hbm>>
        %dma_wait3A_31 = tpu.memref_squeeze %dma_wait3A_30 : memref<1x16xi32, #tpu.memory_space<hbm>> -> memref<16xi32, #tpu.memory_space<hbm>>
        %dma_wait3A_32 = arith.constant 0 : i32
        %dma_wait3A_33 = tpu.memref_slice %arg3[%add3A, %dma_wait3A_32] : memref<20x16xi32, #tpu.memory_space<hbm>> -> memref<1x16xi32, #tpu.memory_space<hbm>>
        %dma_wait3A_34 = tpu.memref_squeeze %dma_wait3A_33 : memref<1x16xi32, #tpu.memory_space<hbm>> -> memref<16xi32, #tpu.memory_space<hbm>>
        tpu.wait_dma2 semaphore(%run_scoped3A : memref<!tpu.dma_semaphore, #tpu.memory_space<semaphore_mem>>) src(%arg5 : memref<16xi32, #tpu.memory_space<vmem>>) dst(%dma_wait3A_34 : memref<16xi32, #tpu.memory_space<hbm>>)
        tpu.yield
      }) : () -> ()
    } else {
    }
    return
  }
}

module attributes {stable_mosaic.version = 14 : i64} {
  func.func @_tc_body(%arg0: memref<20x5120xf32, #tpu.memory_space<vmem>>, %arg1: memref<4x5000xf32, #tpu.memory_space<vmem>>, %arg2: memref<20x1xf32, #tpu.memory_space<vmem>>, %arg3: memref<20x16xi32, #tpu.memory_space<vmem>>, %arg4: memref<1x1xf32, #tpu.memory_space<vmem>>) attributes {dimension_semantics = [], scalar_prefetch = 0 : i64, scratch_operands = 0 : i64, tpu.core_type = #tpu.core_type<tc>} {
    %get3A = arith.constant 0 : index
    %get3A_0 = arith.constant 0 : index
    %get3A_1 = vector.load %arg0[%get3A, %get3A_0] : memref<20x5120xf32, #tpu.memory_space<vmem>>, vector<20x5120xf32>
    %slice3A = vector.extract_strided_slice %get3A_1 {offsets = [0, 0], sizes = [20, 5000], strides = [1, 1]} : vector<20x5120xf32> to vector<20x5000xf32>
    %get3A_2 = arith.constant 0 : index
    %get3A_3 = arith.constant 0 : index
    %get3A_4 = vector.load %arg1[%get3A_2, %get3A_3] : memref<4x5000xf32, #tpu.memory_space<vmem>>, vector<4x5000xf32>
    %get3A_5 = arith.constant 0 : index
    %get3A_6 = arith.constant 0 : index
    %get3A_7 = vector.load %arg3[%get3A_5, %get3A_6] : memref<20x16xi32, #tpu.memory_space<vmem>>, vector<20x1xi32>
    %iota3A = tpu.iota {dimensions = array<i32: 1>} : vector<20x5000xi32>
    %eq3A = vector.broadcast %get3A_7 : vector<20x1xi32> to vector<20x5000xi32>
    %eq3A_8 = arith.cmpi eq, %iota3A, %eq3A : vector<20x5000xi32>
    %convert_element_type3A = arith.extui %eq3A_8 : vector<20x5000xi1> to vector<20x5000xi32>
    %convert_element_type3A_9 = arith.sitofp %convert_element_type3A : vector<20x5000xi32> to vector<20x5000xf32>
    %slice3A_10 = vector.extract_strided_slice %get3A_4 {offsets = [0, 0], sizes = [1, 5000], strides = [1, 1]} : vector<4x5000xf32> to vector<1x5000xf32>
    %slice3A_11 = vector.extract_strided_slice %get3A_4 {offsets = [1, 0], sizes = [1, 5000], strides = [1, 1]} : vector<4x5000xf32> to vector<1x5000xf32>
    %slice3A_12 = vector.extract_strided_slice %get3A_4 {offsets = [2, 0], sizes = [1, 5000], strides = [1, 1]} : vector<4x5000xf32> to vector<1x5000xf32>
    %slice3A_13 = vector.extract_strided_slice %get3A_4 {offsets = [3, 0], sizes = [1, 5000], strides = [1, 1]} : vector<4x5000xf32> to vector<1x5000xf32>
    %mul3A = vector.broadcast %slice3A_10 : vector<1x5000xf32> to vector<20x5000xf32>
    %mul3A_14 = arith.mulf %convert_element_type3A_9, %mul3A : vector<20x5000xf32>
    %reduce_sum3A = arith.constant dense<0.000000e+00> : vector<20xf32>
    %reduce_sum3A_15 = vector.multi_reduction <add>, %mul3A_14, %reduce_sum3A [1] : vector<20x5000xf32> to vector<20xf32>
    %broadcast_in_dim3A = vector.shape_cast %reduce_sum3A_15 : vector<20xf32> to vector<20x1xf32>
    %mul3A_16 = vector.broadcast %slice3A_11 : vector<1x5000xf32> to vector<20x5000xf32>
    %mul3A_17 = arith.mulf %convert_element_type3A_9, %mul3A_16 : vector<20x5000xf32>
    %reduce_sum3A_18 = arith.constant dense<0.000000e+00> : vector<20xf32>
    %reduce_sum3A_19 = vector.multi_reduction <add>, %mul3A_17, %reduce_sum3A_18 [1] : vector<20x5000xf32> to vector<20xf32>
    %broadcast_in_dim3A_20 = vector.shape_cast %reduce_sum3A_19 : vector<20xf32> to vector<20x1xf32>
    %mul3A_21 = vector.broadcast %slice3A_12 : vector<1x5000xf32> to vector<20x5000xf32>
    %mul3A_22 = arith.mulf %convert_element_type3A_9, %mul3A_21 : vector<20x5000xf32>
    %reduce_sum3A_23 = arith.constant dense<0.000000e+00> : vector<20xf32>
    %reduce_sum3A_24 = vector.multi_reduction <add>, %mul3A_22, %reduce_sum3A_23 [1] : vector<20x5000xf32> to vector<20xf32>
    %broadcast_in_dim3A_25 = vector.shape_cast %reduce_sum3A_24 : vector<20xf32> to vector<20x1xf32>
    %mul3A_26 = vector.broadcast %slice3A_13 : vector<1x5000xf32> to vector<20x5000xf32>
    %mul3A_27 = arith.mulf %convert_element_type3A_9, %mul3A_26 : vector<20x5000xf32>
    %reduce_sum3A_28 = arith.constant dense<0.000000e+00> : vector<20xf32>
    %reduce_sum3A_29 = vector.multi_reduction <add>, %mul3A_27, %reduce_sum3A_28 [1] : vector<20x5000xf32> to vector<20xf32>
    %broadcast_in_dim3A_30 = vector.shape_cast %reduce_sum3A_29 : vector<20xf32> to vector<20x1xf32>
    %max3A = vector.broadcast %slice3A_10 : vector<1x5000xf32> to vector<20x5000xf32>
    %max3A_31 = vector.broadcast %broadcast_in_dim3A : vector<20x1xf32> to vector<20x5000xf32>
    %max3A_32 = arith.maximumf %max3A, %max3A_31 : vector<20x5000xf32>
    %max3A_33 = vector.broadcast %slice3A_11 : vector<1x5000xf32> to vector<20x5000xf32>
    %max3A_34 = vector.broadcast %broadcast_in_dim3A_20 : vector<20x1xf32> to vector<20x5000xf32>
    %max3A_35 = arith.maximumf %max3A_33, %max3A_34 : vector<20x5000xf32>
    %min3A = vector.broadcast %slice3A_12 : vector<1x5000xf32> to vector<20x5000xf32>
    %min3A_36 = vector.broadcast %broadcast_in_dim3A_25 : vector<20x1xf32> to vector<20x5000xf32>
    %min3A_37 = arith.minimumf %min3A, %min3A_36 : vector<20x5000xf32>
    %min3A_38 = vector.broadcast %slice3A_13 : vector<1x5000xf32> to vector<20x5000xf32>
    %min3A_39 = vector.broadcast %broadcast_in_dim3A_30 : vector<20x1xf32> to vector<20x5000xf32>
    %min3A_40 = arith.minimumf %min3A_38, %min3A_39 : vector<20x5000xf32>
    %sub3A = arith.subf %min3A_37, %max3A_32 : vector<20x5000xf32>
    %add3A = arith.constant 1.000000e+00 : f32
    %add3A_41 = vector.broadcast %add3A : f32 to vector<20x5000xf32>
    %add3A_42 = arith.addf %sub3A, %add3A_41 : vector<20x5000xf32>
    %sub3A_43 = arith.subf %min3A_40, %max3A_35 : vector<20x5000xf32>
    %add3A_44 = arith.constant 1.000000e+00 : f32
    %add3A_45 = vector.broadcast %add3A_44 : f32 to vector<20x5000xf32>
    %add3A_46 = arith.addf %sub3A_43, %add3A_45 : vector<20x5000xf32>
    %gt3A = arith.constant 0.000000e+00 : f32
    %gt3A_47 = vector.broadcast %gt3A : f32 to vector<20x5000xf32>
    %gt3A_48 = arith.cmpf ogt, %add3A_42, %gt3A_47 : vector<20x5000xf32>
    %gt3A_49 = arith.constant 0.000000e+00 : f32
    %gt3A_50 = vector.broadcast %gt3A_49 : f32 to vector<20x5000xf32>
    %gt3A_51 = arith.cmpf ogt, %add3A_46, %gt3A_50 : vector<20x5000xf32>
    %and3A = arith.andi %gt3A_48, %gt3A_51 : vector<20x5000xi1>
    %convert_element_type3A_52 = arith.extui %and3A : vector<20x5000xi1> to vector<20x5000xi32>
    %convert_element_type3A_53 = arith.sitofp %convert_element_type3A_52 : vector<20x5000xi32> to vector<20x5000xf32>
    %mul3A_54 = arith.mulf %add3A_42, %add3A_46 : vector<20x5000xf32>
    %mul3A_55 = arith.mulf %mul3A_54, %convert_element_type3A_53 : vector<20x5000xf32>
    %sub3A_56 = arith.subf %slice3A_12, %slice3A_10 : vector<1x5000xf32>
    %add3A_57 = arith.constant 1.000000e+00 : f32
    %add3A_58 = vector.broadcast %add3A_57 : f32 to vector<1x5000xf32>
    %add3A_59 = arith.addf %sub3A_56, %add3A_58 : vector<1x5000xf32>
    %sub3A_60 = arith.subf %slice3A_13, %slice3A_11 : vector<1x5000xf32>
    %add3A_61 = arith.constant 1.000000e+00 : f32
    %add3A_62 = vector.broadcast %add3A_61 : f32 to vector<1x5000xf32>
    %add3A_63 = arith.addf %sub3A_60, %add3A_62 : vector<1x5000xf32>
    %mul3A_64 = arith.mulf %add3A_59, %add3A_63 : vector<1x5000xf32>
    %sub3A_65 = arith.subf %broadcast_in_dim3A_25, %broadcast_in_dim3A : vector<20x1xf32>
    %add3A_66 = arith.constant 1.000000e+00 : f32
    %add3A_67 = vector.broadcast %add3A_66 : f32 to vector<20x1xf32>
    %add3A_68 = arith.addf %sub3A_65, %add3A_67 : vector<20x1xf32>
    %sub3A_69 = arith.subf %broadcast_in_dim3A_30, %broadcast_in_dim3A_20 : vector<20x1xf32>
    %add3A_70 = arith.constant 1.000000e+00 : f32
    %add3A_71 = vector.broadcast %add3A_70 : f32 to vector<20x1xf32>
    %add3A_72 = arith.addf %sub3A_69, %add3A_71 : vector<20x1xf32>
    %mul3A_73 = arith.mulf %add3A_68, %add3A_72 : vector<20x1xf32>
    %add3A_74 = vector.broadcast %mul3A_64 : vector<1x5000xf32> to vector<20x5000xf32>
    %add3A_75 = vector.broadcast %mul3A_73 : vector<20x1xf32> to vector<20x5000xf32>
    %add3A_76 = arith.addf %add3A_74, %add3A_75 : vector<20x5000xf32>
    %sub3A_77 = arith.subf %add3A_76, %mul3A_55 : vector<20x5000xf32>
    %div3A = arith.divf %mul3A_55, %sub3A_77 : vector<20x5000xf32>
    %gt3A_78 = arith.constant 0.699999988 : f32
    %gt3A_79 = vector.broadcast %gt3A_78 : f32 to vector<20x5000xf32>
    %gt3A_80 = arith.cmpf ogt, %div3A, %gt3A_79 : vector<20x5000xf32>
    %convert_element_type3A_81 = arith.extui %gt3A_80 : vector<20x5000xi1> to vector<20x5000xi32>
    %convert_element_type3A_82 = arith.sitofp %convert_element_type3A_81 : vector<20x5000xi32> to vector<20x5000xf32>
    %jit3A = arith.constant 9.99999997E-7 : f32
    %jit3A_83 = arith.constant 0.999998986 : f32
    %max3A_84 = vector.broadcast %jit3A : f32 to vector<20x5000xf32>
    %max3A_85 = arith.maximumf %max3A_84, %slice3A : vector<20x5000xf32>
    %min3A_86 = vector.broadcast %jit3A_83 : f32 to vector<20x5000xf32>
    %min3A_87 = arith.minimumf %min3A_86, %max3A_85 : vector<20x5000xf32>
    %log3A = math.log %min3A_87 : vector<20x5000xf32>
    %neg3A = arith.constant 0.000000e+00 : f32
    %neg3A_88 = vector.broadcast %neg3A : f32 to vector<20x5000xf32>
    %neg3A_89 = arith.subf %neg3A_88, %log3A : vector<20x5000xf32>
    %mul3A_90 = arith.mulf %neg3A_89, %convert_element_type3A_82 : vector<20x5000xf32>
    %reduce_sum3A_91 = arith.constant dense<0.000000e+00> : vector<20xf32>
    %reduce_sum3A_92 = vector.multi_reduction <add>, %mul3A_90, %reduce_sum3A_91 [1] : vector<20x5000xf32> to vector<20xf32>
    %broadcast_in_dim3A_93 = vector.shape_cast %reduce_sum3A_92 : vector<20xf32> to vector<20x1xf32>
    %reduce_sum3A_94 = arith.constant dense<0.000000e+00> : vector<20xf32>
    %reduce_sum3A_95 = vector.multi_reduction <add>, %convert_element_type3A_82, %reduce_sum3A_94 [1] : vector<20x5000xf32> to vector<20xf32>
    %broadcast_in_dim3A_96 = vector.shape_cast %reduce_sum3A_95 : vector<20xf32> to vector<20x1xf32>
    %max3A_97 = arith.constant 1.000000e+00 : f32
    %max3A_98 = vector.broadcast %max3A_97 : f32 to vector<20x1xf32>
    %max3A_99 = arith.maximumf %broadcast_in_dim3A_96, %max3A_98 : vector<20x1xf32>
    %div3A_100 = arith.divf %broadcast_in_dim3A_93, %max3A_99 : vector<20x1xf32>
    %get3A_101 = arith.constant 0 : index
    %get3A_102 = arith.constant 0 : index
    %get3A_103 = vector.load %arg2[%get3A_101, %get3A_102] : memref<20x1xf32, #tpu.memory_space<vmem>>, vector<20x1xf32>
    %mul3A_104 = arith.mulf %div3A_100, %get3A_103 : vector<20x1xf32>
    %reduce_sum3A_105 = vector.shape_cast %mul3A_104 : vector<20x1xf32> to vector<1x20x1xf32>
    %reduce_sum3A_106 = arith.constant dense<0.000000e+00> : vector<1xf32>
    %reduce_sum3A_107 = vector.multi_reduction <add>, %reduce_sum3A_105, %reduce_sum3A_106 [1, 2] : vector<1x20x1xf32> to vector<1xf32>
    %reduce_sum3A_108 = vector.shape_cast %reduce_sum3A_107 : vector<1xf32> to vector<1x1x1xf32>
    %reduce_sum3A_109 = vector.extract %reduce_sum3A_108[0, 0, 0] : f32 from vector<1x1x1xf32>
    %reduce_sum3A_110 = vector.shape_cast %get3A_103 : vector<20x1xf32> to vector<1x20x1xf32>
    %reduce_sum3A_111 = arith.constant dense<0.000000e+00> : vector<1xf32>
    %reduce_sum3A_112 = vector.multi_reduction <add>, %reduce_sum3A_110, %reduce_sum3A_111 [1, 2] : vector<1x20x1xf32> to vector<1xf32>
    %reduce_sum3A_113 = vector.shape_cast %reduce_sum3A_112 : vector<1xf32> to vector<1x1x1xf32>
    %reduce_sum3A_114 = vector.extract %reduce_sum3A_113[0, 0, 0] : f32 from vector<1x1x1xf32>
    %div3A_115 = arith.divf %reduce_sum3A_109, %reduce_sum3A_114 : f32
    %broadcast_in_dim3A_116 = vector.broadcast %div3A_115 : f32 to vector<1x1xf32>
    %swap3A = arith.constant 0 : index
    %swap3A_117 = arith.constant 0 : index
    %swap3A_118 = vector.load %arg4[%swap3A, %swap3A_117] : memref<1x1xf32, #tpu.memory_space<vmem>>, vector<1x1xf32>
    tpu.vector_store %arg4[%swap3A, %swap3A_117], %broadcast_in_dim3A_116 {strides = array<i32>} : memref<1x1xf32, #tpu.memory_space<vmem>>, vector<1x1xf32>,
    return
  }
}

</mosaic_0001>

<sc_bundles>
// kernel: kernel.4.cloned.1.call-start
scs
__scs_entry_jumppad:
0x0: {  	(pc) =	sbr.rel $0x88, $3  }
0x1: {  	(tag) =	ssettag $0x0;
	lr =	simm.s32 $0x1  }
0x2: {  	[smem:$0x3F9E] =	sst lr;
	_ =	strace $0xD0000000  }
0x3: {  	_ = 	snop  }
0x4: {  	_ = 	snop  }
0x5: {  	_ = 	snop  }
0x6: {  	_ = 	snop  }
0x7: {  	_ = 	snop  }
__scs_overlays_trampoline_lowered:
0x8: {  	[smem:$0x3FAD] =	sst s0  }
0x9: {  	[smem:$0x3FAE] =	sst s1  }
0xa: {  	[smem:$0x3FAF] =	sst s2  }
0xb: {  	[smem:$0x3FB0] =	sst s3  }
0xc: {  	[smem:$0x3FB1] =	sst s4  }
0xd: {  	[smem:$0x3FB2] =	sst s5  }
0xe: {  	[smem:$0x3FB3] =	sst s6  }
0xf: {  	[smem:$0x3FB4] =	sst s7  }
0x10: {  	[smem:$0x3FB5] =	sst s8  }
0x11: {  	[smem:$0x3FB6] =	sst s9;
	s0 =	simm.s32 @!p0 $0x0  }
0x12: {  	s1 =	sld [smem:$0x3F9C];
	s0 =	simm.s32 @p0 $0x1  }
0x13: {  	[smem:$0x3FB7] =	sst s0;
	s0 =	simm.s32 @!p1 $0x0  }
0x14: {  	s2 =	sld [smem:$0x3F9B];
	s0 =	simm.s32 @p1 $0x1  }
0x15: {  	[smem:$0x3FB8] =	sst s0;
	s0 =	simm.s32 @!p2 $0x0  }
0x16: {  	s3 =	sld [smem:$0x3FDB];
	s0 =	simm.s32 @p2 $0x1  }
0x17: {  	s4 =	simm.s32 $0x1BF5;
	[smem:$0x3FBA] =	sst s0  }
0x18: {  	s0 =	sld [smem:$0x3F9D];
	_ =	swait.ge [sflag:s4], $0x0  }
0x19: {  	s7 =	sld [smem:$0x3F9E]  }
0x1a: {  	s8 =	sadd.s32 $0xFFFFE003, lr  }
0x1b: {  	s9 =	sadd.s32 $0xFFFFFEF7, lr;
	s5 =	simm.s32 $0xFFFFFFFF;
	p2 =	slt.u32 s8, $0xFFFFF086  }
0x1c: {  	p1 =	slt.u32 s9, $0xF7A;
	s5 =	simm.s32 @!p2 $0x0  }
0x1d: {  	s5 =	simm.s32 @p1 $0x1;
	p0 =	seq.s32 s7, s2  }
0x1e: {  	s7 =	smul.u32 @!p0 $0xF7A, s2;
	p2 =	seq.s32 @!p0 s5, $0x0  }
0x1f: {  	s9 =	smul.u32 $0xF7A, s1;
	s8 =	simm.s32 @!p0 $0x1BF5;
	p2 =	por !p2, p0  }
0x20: {  	[sflag:s8] =	ssyncset.s32 @!p0 $0xFFFFF086;
	s6 =	sadd.s32 @!p0 s3, s7;
	s7 =	simm.s32 @!p0 $0x108  }
0x21: {  	s3 =	sadd.s32 s3, s9;
	s6 =	sadd.s32 @!p0 $0x88, s6;
	s7 =	simm.s32 @p2 $0x1082  }
0x22: {  	[simem:s7], [sflag:s8] =	dma.local @!p0 [hbm:s6], $0xF7A  }
0x23: {  	s9 =	sor.u32 $0xD0000000, s2;
	s6 =	simm.s32 $0x108;
	_ =	swait.ge @!p0 [sflag:s8], $0x0  }
0x24: {  	s3 =	sadd.s32 $0x88, s3;
	s6 =	simm.s32 @!p1 $0x1082;
	[sflag:s4] =	ssyncset.s32 $0xFFFFF086  }
0x25: {  	[simem:s6], [sflag:s4] =	dma.local [hbm:s3], $0xF7A  }
0x26: {  	[smem:$0x3F9E] =	sst s1;
	(tag) =	ssettag s2;
	_ =	strace s9  }
0x27: {  	s1 =	sld [smem:$0x3FAE]  }
0x28: {  	s2 =	sld [smem:$0x3FAF]  }
0x29: {  	s4 =	sld [smem:$0x3FB1]  }
0x2a: {  	p0 =	seq.s32 s5, $0x0;
	s5 =	sld [smem:$0x3FB2]  }
0x2b: {  	s6 =	sld [smem:$0x3FB3]  }
0x2c: {  	s7 =	sld [smem:$0x3FB4]  }
0x2d: {  	s3 =	simm.s32 $0x108;
	s8 =	sld [smem:$0x3FB5]  }
0x2e: {  	s3 =	simm.s32 @!p0 $0x1082;
	s9 =	sld [smem:$0x3FB6]  }
0x2f: {  	lr =	sadd.s32 s0, s3;
	s0 =	sld [smem:$0x3FAD]  }
0x30: {  	s3 =	sld [smem:$0x3FB0]  }
0x31: {  	[smem:$0x3FB9] =	sst s10  }
0x32: {  	s10 =	sld [smem:$0x3FB7];
	_ =	sdelay $0x3  }
0x33: {  	p0 =	seq.s32 s10, $0x1;
	s10 =	sld [smem:$0x3FB9];
	_ =	sdelay $0x3  }
0x34: {  	[smem:$0x3FB9] =	sst s10  }
0x35: {  	s10 =	sld [smem:$0x3FB8];
	_ =	sdelay $0x3  }
0x36: {  	p1 =	seq.s32 s10, $0x1;
	s10 =	sld [smem:$0x3FB9];
	_ =	sdelay $0x3  }
0x37: {  	[smem:$0x3FB9] =	sst s10  }
0x38: {  	s10 =	sld [smem:$0x3FBA]  }
0x39: {  	_ = 	snop;
	(pc) =	sbr.ind lr, $3  }
0x3a: {  	_ = 	snop  }
0x3b: {  	_ = 	snop  }
0x3c: {  	p2 =	seq.s32 s10, $0x1;
	s10 =	sld [smem:$0x3FB9]  }
0x3d: {  	_ =	shalt  }
0x3e: {  	_ =	shalt  }
0x3f: {  	_ =	shalt  }
0x40: {  	_ =	shalt  }
0x41: {  	_ =	shalt  }
0x42: {  	_ =	shalt  }
0x43: {  	_ =	shalt  }
0x44: {  	_ =	shalt  }
0x45: {  	_ =	shalt  }
0x46: {  	_ =	shalt  }
0x47: {  	_ =	shalt  }
0x48: {  	_ =	shalt  }
0x49: {  	_ =	shalt  }
0x4a: {  	_ =	shalt  }
0x4b: {  	_ =	shalt  }
0x4c: {  	_ =	shalt  }
0x4d: {  	_ =	shalt  }
0x4e: {  	_ =	shalt  }
0x4f: {  	_ =	shalt  }
0x50: {  	_ =	shalt  }
0x51: {  	_ =	shalt  }
0x52: {  	_ =	shalt  }
0x53: {  	_ =	shalt  }
0x54: {  	_ =	shalt  }
0x55: {  	_ =	shalt  }
0x56: {  	_ =	shalt  }
0x57: {  	_ =	shalt  }
0x58: {  	_ =	shalt  }
0x59: {  	_ =	shalt  }
0x5a: {  	_ =	shalt  }
0x5b: {  	_ =	shalt  }
0x5c: {  	_ =	shalt  }
0x5d: {  	_ =	shalt  }
0x5e: {  	_ =	shalt  }
0x5f: {  	_ =	shalt  }
0x60: {  	_ =	shalt  }
0x61: {  	_ =	shalt  }
0x62: {  	_ =	shalt  }
0x63: {  	_ =	shalt  }
0x64: {  	_ =	shalt  }
0x65: {  	_ =	shalt  }
0x66: {  	_ =	shalt  }
0x67: {  	_ =	shalt  }
0x68: {  	_ =	shalt  }
0x69: {  	_ =	shalt  }
0x6a: {  	_ =	shalt  }
0x6b: {  	_ =	shalt  }
0x6c: {  	_ =	shalt  }
0x6d: {  	_ =	shalt  }
0x6e: {  	_ =	shalt  }
0x6f: {  	_ =	shalt  }
0x70: {  	_ =	shalt  }
0x71: {  	_ =	shalt  }
0x72: {  	_ =	shalt  }
0x73: {  	_ =	shalt  }
0x74: {  	_ =	shalt  }
0x75: {  	_ =	shalt  }
0x76: {  	_ =	shalt  }
0x77: {  	_ =	shalt  }
0x78: {  	_ =	shalt  }
0x79: {  	_ =	shalt  }
0x7a: {  	_ =	shalt  }
0x7b: {  	_ =	shalt  }
0x7c: {  	_ =	shalt  }
0x7d: {  	_ =	shalt  }
0x7e: {  	_ =	shalt  }
0x7f: {  	_ =	shalt  }
0x80: {  	_ =	shalt  }
0x81: {  	_ =	shalt  }
0x82: {  	_ =	shalt  }
0x83: {  	_ =	shalt  }
0x84: {  	_ =	shalt  }
0x85: {  	_ =	shalt  }
0x86: {  	_ =	shalt  }
0x87: {  	_ =	shalt  }
.Lfunc_end0:
.L_simem_size_0:
called_computation_lowered:
.L_overlay_start_0:
0x88: {  	s2 =	sld [smem:$0x3FD9]  }
0x89: {  	s3 =	sld [smem:$0x3FFE];
	_ =	sdelay $0x1  }
0x8a: {  	s1 =	srdreg.scid  }
0x8b: {  	s0 =	sand.u32 $0x1, s1  }
0x8c: {  	s16 =	sshll.u32 s0, $0xA;
	s2 =	sadd.s32 s3, s2  }
0x8d: {  	s2 =	sadd.s32 s2, s16  }
0x8e: {  	[smem:$0x3FC5] =	sst s2  }
0x8f: {  	_ = 	snop  }
0x90: {  	(tm) =	ssettm $0x1  }
0x91: {  	s17 =	sld [smem:$0x3FFB];
	_ =	sdelay $0x3  }
0x92: {  	_ =	strace s17  }
0x93: {  	s2 =	sld [smem:$0x3FFC];
	_ =	sdelay $0x3  }
0x94: {  	_ =	strace s2  }
0x95: {  	s2 =	sld [smem:$0x3FFD];
	_ =	sdelay $0x3  }
0x96: {  	_ =	strace s2  }
0x97: {  	_ =	strace $0x8FFFFFFF  }
0x98: {  	s18 =	sld [smem:$0x3FDB];
	_ =	sdelay $0x1  }
0x99: {  	s19 =	simm.s32 $_scs_section_size  }
0x9a: {  	s4 =	simm.s32 $_size__tile_overlayer_lowered;
	s5 =	simm.s32 $_tile_overlayer_lowered  }
0x9b: {  	s22 =	simm.s32 $0x1BFF;
	s21 =	sshll.u32 s5, $0x1;
	s2 =	sadd.s32 s19, s18  }
0x9c: {  	s6 =	simm.s32 $0x0;
	s20 =	sshll.u32 s4, $0x1;
	s4 =	sadd.s32 s21, s2  }
0x9d: {  	[timem:s6], [sflag:s22] =	dma.local [hbm:s4], s20  }
0x9e: {  	_ =	swait.ge [sflag:s22], s20  }
0x9f: {  	s3 =	ssub.s32 $0x0, s20;
	[sflag:s22] =	ssyncset.done $0x0  }
0xa0: {  	[sflag:s22] =	ssyncadd.s32 s3;
	_ =	sdelay $0x1  }
0xa1: {  	s23 =	simm.s32 $0x1B8B  }
0xa2: {  	_ =	swait.ge [sflag:s23], $0x1  }
0xa3: {  	[sflag:s23] =	ssyncset.done $0x0  }
0xa4: {  	s25 =	simm.s32 $0x1B8E;
	s24 =	sld [smem:$0x3FFE];
	[sflag:s23] =	ssyncadd.s32 $0xFFFFFFFF  }
0xa5: {  	s26 =	simm.s32 $execute0_lowered;
	[smem:$0x3FD2] =	sst s25  }
0xa6: {  	s4 =	sshll.u32 s26, $0x1;
	_ =	strace $0x80000046;
	[dreg:$0x1] =	wrdreg $0xFFFFFFFF  }
0xa7: {  	s28 =	simm.s32 $_size_execute0_lowered;
	s2 =	sadd.s32 s2, s4;
	[dreg:$0x0] =	wrdreg $0x0  }
0xa8: {  	s4 =	sshll.u32 s28, $0x1;
	[dreg:$0x2] =	wrdreg s2  }
0xa9: {  	[dreg:$0x3] =	wrdreg s4  }
0xaa: {  	[dreg:$0x4] =	wrdreg $0xC0  }
0xab: {  	_ =	task [dreg:s6], $0x5FFFF  }
0xac: {  	[dreg:$0x1] =	wrdreg $0xFFFFFFFF  }
0xad: {  	[dreg:$0x0] =	wrdreg $0x60  }
0xae: {  	[dreg:$0x2] =	wrdreg s24  }
0xaf: {  	[dreg:$0x3] =	wrdreg $0x9  }
0xb0: {  	_ =	task.clear_ibuf [dreg:s6], $0x4FFFF;
	_ =	strace $0x90000046  }
0xb1: {  	s29 =	simm.s32 $0x9;
	_ =	strace $0x80000048  }
0xb2: {  	_ =	swait.ge [sflag:s29], $0x1  }
0xb3: {  	[sflag:s29] =	ssyncadd.s32 $0xFFFFFFFF  }
0xb4: {  	_ =	strace $0x90000048  }
0xb5: {  	_ =	sfence  }
0xb6: {  	s30 =	sld [smem:$0x0];
	_ =	sdelay $0x2  }
0xb7: {  	s31 =	sshll.u32 s1, $0xD;
	s1 =	sshrl.u32 s1, $0x2  }
0xb8: {  	s3 =	sand.u32 $0x4000, s31;
	s1 =	sadd.s32 s1, s30  }
0xb9: {  	s0 =	sor.u32 s3, s0;
	s1 =	sshll.u32 s1, $0x11  }
0xba: {  	s0 =	sor.u32 s1, s0  }
0xbb: {  	s0 =	sadd.s32 $0x8F2B, s0  }
0xbc: {  	[sflag:s0] =	ssyncadd.remote.s32 $0x1  }
0xbd: {  	_ =	sfence.sel $0xFFFF  }
0xbe: {  	[dreg:$0x0] =	wrdreg $0xFFFFFFFF;
	(pc) =	sbr.abs _section_cstart, $3  }
0xbf: {  	[dreg:$0x1] =	wrdreg $0xFFFFFFFF  }
0xc0: {  	_ =	task.clear_ibuf [dreg:s6], $0x2FFFF;
	_ =	strace $0x9FFFFFFF  }
0xc1: {  	(tm) =	ssettm $0x7FFFFFFF  }
tec
execute0_lowered:
.L_overlay_start_1:
0x0: {  	(tag) =	ssettag $0x1  }
0x1: {  	s1 =	stileid.u32  }
0x2: {  	p0 =	sgt.u32 s1, $0x9  }
.Ltmp0:
0x3: {  	_ = 	snop;
	(pc) =	sbr.rel @p0 .LBB2_5-.Ltmp0, $4  }
0x4: {  	_ = 	snop  }
0x5: {  	s3 =	rddreg [dreg:$0x0];
	s2 =	simm.s32 $0x0  }
0x6: {  	[smem:$0x7FF] =	sst s2  }
0x7: {  	s0 =	rddreg [dreg:$0x1];
	_ =	strace $0x80000047  }
0x8: {  	s4 =	srdreg.scid;
	s5 =	sshll.u32 s1, $0x8  }
0x9: {  	s6 =	sshrl.u32 s1, $0x2;
	s8 =	sadd.s32 $0xC00, s3;
	s4 =	sand.u32 $0x1, s4  }
0xa: {  	s9 =	simm.s32 $0x1400;
	s5 =	sand.u32 $0x300, s5;
	s7 =	sshll.u32 s4, $0x7  }
0xb: {  	s29 =	sshll.u32 s6, $0xA;
	s6 =	smul.u32 $0xA000, s6;
	s5 =	sor.u32 s7, s5  }
0xc: {  	s10 =	simm.s32 $0x0;
	s4 =	ssub.s32 $0x2, s4;
	s7 =	sor.u32 s29, s5  }
0xd: {  	s31 =	sshrl.u32 s4, $0x1;
	s5 =	sor.u32 s6, s5;
	s7 =	sshrl.u32 s7, $0x3  }
0xe: {  	s6 =	ssub.s32 s4, s31;
	s5 =	sshrl.u32 s5, $0x3;
	s30 =	sadd.s32 s7, s3  }
0xf: {  	s4 =	sadd.s32 s8, s5;
	s5 =	smax.u32 s6, $0x1;
	s6 =	simm.s32 $0x80  }
0x10: {  	v0 =	vlaneseq.u32;
	s7 =	simm.s32 $0x400;
	s8 =	simm.s32 $0x1;
	s3 =	sadd.s32 $0x4800, s30  }
.LBB2_2:
0x11: {  	[tilespmem:s2], [sflag:$0x1] =	stream.strided.gather [hbm4b:s4+s6], $0x1400, s7, s6, $0x38;
	[tilespmem:$0x1480] =	vst v63  }
0x12: {  	_ =	swait.ge [sflag:s8], $0x1400  }
0x13: {  	[sflag:s8] =	ssyncset.done $0x0  }
0x14: {  	s11 =	simm.s32 $0x40;
	[sflag:s8] =	ssyncadd.s32 $0xFFFFEC00  }
0x15: {  	v1 =	vld [tilespmem:s11+$0xFFFFFFC0];
	_ =	sdelay $0x1  }
0x16: {  	v2 =	vld [tilespmem:s11+$0xFFFFFFD0];
	_ =	sdelay $0x1  }
0x17: {  	v3 =	vimm.f32 $-3.000000010e+38;
	v4 =	vld [tilespmem:s11+$0xFFFFFFE0]  }
0x18: {  	vm0 =	vgt.f32 v1, v3  }
0x19: {  	v1 =	vsel vm0, v1, v3;
	v3 =	vld [tilespmem:s11+$0xFFFFFFF0]  }
0x1a: {  	vm1 =	vgt.f32 v2, v1  }
0x1b: {  	s12 =	simm.s32 $0x0;
	v1 =	vsel vm1, v2, v1  }
0x1c: {  	v5 =	vimm.s32 $0x0;
	s28 =	simm.s32 $0x10;
	v6 =	vor.u32 s12, v0;
	v2 =	vld [tilespmem:s11+$0x0];
	vm2 =	vgt.f32 v4, v1  }
0x1d: {  	s29 =	simm.s32 $0x20;
	v5 =	vsel vm0, v6, v5;
	v6 =	vor.u32 s28, v0;
	v1 =	vsel vm2, v4, v1  }
0x1e: {  	s30 =	simm.s32 $0x30;
	v5 =	vsel vm1, v6, v5;
	v6 =	vor.u32 s29, v0;
	v4 =	vld [tilespmem:s11+$0x10];
	vm13 =	vgt.f32 v3, v1  }
0x1f: {  	v3 =	vsel vm13, v3, v1;
	v1 =	vsel vm2, v6, v5;
	v5 =	vor.u32 s30, v0  }
0x20: {  	v5 =	vsel vm13, v5, v1;
	v1 =	vld [tilespmem:s11+$0x20]  }
0x21: {  	s31 =	simm.s32 $0x40;
	vm14 =	vgt.f32 v2, v3  }
0x22: {  	s13 =	simm.s32 $0x50;
	v6 =	vor.u32 s31, v0;
	v7 =	vsel vm14, v2, v3;
	v2 =	vld [tilespmem:s11+$0x30]  }
0x23: {  	s14 =	simm.s32 $0x170;
	v8 =	vor.u32 s13, v0;
	s13 =	simm.s32 $0xC0;
	v6 =	vsel vm14, v6, v5;
	vm15 =	vgt.f32 v4, v7  }
0x24: {  	s15 =	simm.s32 $0x60;
	s12 =	simm.s32 $0x70;
	s11 =	simm.s32 $0xF0;
	v3 =	vld [tilespmem:s13+$0xFFFFFFC0];
	v5 =	vsel vm15, v4, v7;
	v4 =	vsel vm15, v8, v6  }
.LBB2_3:
0x25: {  	p0 =	sne.s32 s14, $0x13F0;
	vm0 =	vgt.f32 v1, v5;
	v6 =	vor.u32 s15, v0  }
0x26: {  	v7 =	vld [tilespmem:s13+$0xFFFFFFD0];
	v1 =	vsel vm0, v1, v5;
	v4 =	vsel vm0, v6, v4  }
0x27: {  	v5 =	vor.u32 s12, v0;
	s12 =	smov.u32 s11;
	s11 =	smov.u32 s14;
	vm0 =	vgt.f32 v2, v1  }
0x28: {  	s15 =	sadd.s32 $0xFFFFFF90, s12;
	v6 =	vld [tilespmem:s13+$0xFFFFFFE0];
	v1 =	vsel vm0, v2, v1;
	v2 =	vsel vm0, v5, v4  }
0x29: {  	v4 =	vor.u32 s15, v0;
	vm0 =	vgt.f32 v3, v1  }
0x2a: {  	s15 =	sadd.s32 $0xFFFFFFA0, s12;
	v1 =	vsel vm0, v3, v1;
	v2 =	vsel vm0, v4, v2;
	v3 =	vld [tilespmem:s13+$0xFFFFFFF0]  }
0x2b: {  	v4 =	vor.u32 s15, v0;
	vm0 =	vgt.f32 v7, v1  }
0x2c: {  	s15 =	sadd.s32 $0xFFFFFFB0, s12;
	v1 =	vsel vm0, v7, v1;
	v2 =	vsel vm0, v4, v2;
	v4 =	vld [tilespmem:s13+$0x0]  }
0x2d: {  	v5 =	vor.u32 s15, v0;
	vm0 =	vgt.f32 v6, v1  }
0x2e: {  	s15 =	sadd.s32 $0xFFFFFFC0, s12;
	v1 =	vsel vm0, v6, v1;
	v2 =	vsel vm0, v5, v2;
	v5 =	vld [tilespmem:s13+$0x10]  }
0x2f: {  	v6 =	vor.u32 s15, v0;
	vm0 =	vgt.f32 v3, v1  }
.Ltmp1:
0x30: {  	s15 =	sadd.s32 $0xFFFFFFD0, s12;
	v3 =	vsel vm0, v3, v1;
	v2 =	vsel vm0, v6, v2;
	v1 =	vld [tilespmem:s13+$0x20];
	(pc) =	sbr.rel @p0 .LBB2_3-.Ltmp1, $4  }
0x31: {  	v6 =	vor.u32 s15, v0;
	vm0 =	vgt.f32 v4, v3  }
0x32: {  	s15 =	sadd.s32 $0xFFFFFFE0, s12;
	v4 =	vsel vm0, v4, v3;
	v6 =	vsel vm0, v6, v2;
	v2 =	vld [tilespmem:s13+$0x30]  }
0x33: {  	v7 =	vor.u32 s15, v0;
	s13 =	sadd.s32 $0x80, s13;
	vm0 =	vgt.f32 v5, v4  }
0x34: {  	s14 =	sadd.s32 $0x80, s14;
	s15 =	sadd.s32 $0xFFFFFFF0, s12;
	v3 =	vld [tilespmem:s13+$0xFFFFFFC0];
	v5 =	vsel vm0, v5, v4;
	v4 =	vsel vm0, v7, v6  }
0x35: {  	vm0 =	vgt.f32 v1, v5  }
0x36: {  	v6 =	vld [tilespmem:s13+$0xFFFFFFD0];
	v1 =	vsel vm0, v1, v5  }
0x37: {  	vm1 =	vgt.f32 v2, v1  }
0x38: {  	v61 =	vld [tilespmem:s13+$0xFFFFFFE0];
	v1 =	vsel vm1, v2, v1  }
0x39: {  	vm2 =	vgt.f32 v3, v1  }
0x3a: {  	v2 =	vld [tilespmem:s13+$0xFFFFFFF0];
	v1 =	vsel vm2, v3, v1  }
0x3b: {  	vm3 =	vgt.f32 v6, v1  }
0x3c: {  	v3 =	vld [tilespmem:s13+$0x0];
	v1 =	vsel vm3, v6, v1  }
0x3d: {  	vm4 =	vgt.f32 v61, v1  }
0x3e: {  	v62 =	vld [tilespmem:s13+$0x10];
	v1 =	vsel vm4, v61, v1  }
0x3f: {  	vm5 =	vgt.f32 v2, v1  }
0x40: {  	v1 =	vsel vm5, v2, v1;
	v2 =	vld [tilespmem:s13+$0x20]  }
0x41: {  	vm6 =	vgt.f32 v3, v1  }
0x42: {  	v1 =	vsel vm6, v3, v1;
	v3 =	vld [tilespmem:s13+$0x30]  }
0x43: {  	vm7 =	vgt.f32 v62, v1  }
0x44: {  	v1 =	vsel vm7, v62, v1  }
0x45: {  	vm8 =	vgt.f32 v2, v1  }
0x46: {  	v1 =	vsel vm8, v2, v1  }
0x47: {  	v2 =	vor.u32 s15, v0;
	vm9 =	vgt.f32 v3, v1  }
0x48: {  	s23 =	sadd.s32 $0xFFFFFF90, s11;
	v2 =	vsel vm0, v2, v4;
	v1 =	vsel vm9, v3, v1;
	v3 =	vor.u32 s12, v0  }
0x49: {  	s24 =	sadd.s32 $0xFFFFFFA0, s11;
	v2 =	vsel vm1, v3, v2;
	v3 =	vor.u32 s23, v0;
	(xrf0) =	vmax.scan.msk.f32 $0xffff, v1  }
0x4a: {  	s25 =	sadd.s32 $0xFFFFFFB0, s11;
	v2 =	vsel vm2, v3, v2;
	v3 =	vor.u32 s24, v0  }
0x4b: {  	s26 =	sadd.s32 $0xFFFFFFC0, s11;
	v2 =	vsel vm3, v3, v2;
	v3 =	vor.u32 s25, v0  }
0x4c: {  	s28 =	sadd.s32 $0xFFFFFFD0, s11;
	v2 =	vsel vm4, v3, v2;
	v3 =	vor.u32 s26, v0  }
0x4d: {  	s29 =	sadd.s32 $0xFFFFFFE0, s11;
	v2 =	vsel vm5, v3, v2;
	v3 =	vor.u32 s28, v0  }
0x4e: {  	s30 =	sadd.s32 $0xFFFFFFF0, s11;
	v2 =	vsel vm6, v3, v2;
	v3 =	vor.u32 s29, v0  }
0x4f: {  	v2 =	vsel vm7, v3, v2;
	v3 =	vor.u32 s30, v0;
	v63, _, _ =	vpop (xrf0)  }
0x50: {  	v2 =	vsel vm8, v3, v2;
	v3 =	vor.u32 s11, v0;
	v4 =	vbroadcast v63, $0xF  }
0x51: {  	v2 =	vsel vm9, v3, v2  }
0x52: {  	vm15 =	veq.f32 v1, v4;
	v1 =	vxor.u32 $0x80000000, v2  }
0x53: {  	v1 =	vnsel vm15, $0x80001388, v1  }
0x54: {  	(xrf0) =	vmin.scan.msk.u32 $0xffff, v1;
	_ =	sdelay $0x5  }
0x55: {  	v1, _, _ =	vpop (xrf0)  }
0x56: {  	(v2sf) =	vpush v1, $0xF;
	_ =	sdelay $0xe  }
0x57: {  	s31 =	spop (v2sf)  }
0x58: {  	s10 =	sadd.s32 $0x1, s10;
	s11 =	sxor.u32 $0x80000000, s31  }
0x59: {  	p0 =	sne.s32 s10, s5;
	v1 =	vmov s11  }
.Ltmp2:
0x5a: {  	[tilespmem:$0x1400] =	vst v1;
	(pc) =	sbr.rel @p0 .LBB2_2-.Ltmp2, $4  }
0x5b: {  	[hbm4b:s3+s2] =	stream.linear.scatter [tilespmem:s9], [sflag:$0x1], $0x80, $0x38;
	[tilespmem:$0x1480] =	vst v63  }
0x5c: {  	_ =	swait.ge [sflag:s8], $0x80  }
0x5d: {  	[sflag:s8] =	ssyncset.done $0x0  }
0x5e: {  	[sflag:s8] =	ssyncadd.s32 $0xFFFFFF80  }
.LBB2_5:
0x5f: {  	_ =	sfence.sel $0x180000  }
0x60: {  	[bflag:$0x0] =	sbarrier.arrive $0xFFFF  }
0x61: {  	p0 =	sne.s32 s1, $0x0;
	_ =	strace $0x90000047  }
0x62: {  	s0 =	sadd.s32 @!p0 $0x100000, s0;
	[bflag:$0x2] =	sbarrier.arrive $0xFFFF  }
0x63: {  	[sflag:s0] =	ssyncadd.tile.s32 @!p0 $0x1;
	_ =	shalt  }
.Lfunc_end2:
_tile_overlayer_lowered:
.L_overlay_start_2:
0x64: {  	(tag) =	ssettag $0x2  }
0x65: {  	s0 =	rddreg [dreg:$0x0];
	s2 =	stileid.u32  }
0x66: {  	s1 =	rddreg [dreg:$0x1];
	p0 =	sne.s32 s2, $0x0  }
0x67: {  	s3 =	rddreg [dreg:$0x2];
	[bflag:$0x3] =	sbarrier.arrive $0xFFFF;
	s2 =	simm.s32 @!p0 $0x1C01  }
0x68: {  	[timem:s3], [sflag:s2] =	dma.local @!p0 [hbm:s0], s1  }
0x69: {  	s0 =	simm.s32 @!p0 $0x1  }
0x6a: {  	_ =	swait.ge @!p0 [sflag:s0], s1  }
0x6b: {  	s1 =	ssub.s32 @!p0 $0x0, s1;
	[sflag:s0] =	ssyncset.done @!p0 $0x0  }
0x6c: {  	[sflag:s0] =	ssyncadd.s32 @!p0 s1  }
0x6d: {  	[bflag:$0x3] =	sbarrier.arrive $0xFFFF  }
0x6e: {  	_ =	shalt  }

</sc_bundles>
